<compile_context>
chip_gen: v7x
topology: tpu7x:2x2x1
jax: 0.10.2.dev20260603
libtpu: 0.0.44.dev20260713+nightly
codegen_flags: <defaults>
</compile_context>

<pallas_src>
import functools

import jax
import jax.numpy as jnp
import numpy as np
from jax import lax
from jax.experimental import pallas as pl
from jax.experimental.pallas import tpu as pltpu
from jax.experimental.pallas import tpu_sc as plsc


def _lr_sparsecore(idx_arr, flat_table, batch):
    info = plsc.get_sparse_core_info()
    nc, ns, nl = info.num_cores, info.num_subcores, info.num_lanes
    nw = nc * ns
    n_per_w = idx_arr.shape[1]
    bpw = batch // nw
    nfields = n_per_w // bpw

    mesh = plsc.VectorSubcoreMesh(core_axis_name="c", subcore_axis_name="s")

    @functools.partial(
        pl.kernel,
        mesh=mesh,
        out_type=jax.ShapeDtypeStruct((batch,), jnp.float32),
        scratch_types=[
            pltpu.VMEM((n_per_w,), jnp.int32),
            pltpu.VMEM((n_per_w,), jnp.float32),
            pltpu.VMEM((bpw,), jnp.float32),
            pltpu.SemaphoreType.DMA,
        ],
    )
    def lr_kernel(idx_hbm, table_hbm, out_hbm, idx_v, w_v, acc_v, sem):
        wid = lax.axis_index("s") * nc + lax.axis_index("c")
        pltpu.sync_copy(idx_hbm.at[wid], idx_v)
        pltpu.async_copy(table_hbm.at[idx_v], w_v, sem).wait()

        def body(k, _):
            base = k * nl
            acc = w_v[pl.ds(base, nl)]
            for f in range(1, nfields):
                acc = acc + w_v[pl.ds(f * bpw + base, nl)]
            acc_v[pl.ds(base, nl)] = acc
            return 0

        lax.fori_loop(0, bpw // nl, body, 0)
        pltpu.sync_copy(acc_v, out_hbm.at[pl.ds(wid * bpw, bpw)])

    return lr_kernel(idx_arr, flat_table)


def _interaction_tc(emb2d, sel):
    batch, fd = emb2d.shape
    d = sel.shape[1]
    blk = 1024
    rpb = blk // 128

    def body(emb_ref, sel_ref, out_ref):
        x = emb_ref[...]
        sum_sq = jnp.sum(x * x, axis=1)
        s = jnp.dot(x, sel_ref[...],
                    preferred_element_type=jnp.float32)
        dots = 0.5 * (jnp.sum(s * s, axis=1) - sum_sq)
        out_ref[...] = dots.reshape(rpb, 128)

    return pl.pallas_call(
        body,
        grid=(batch // blk,),
        in_specs=[
            pl.BlockSpec((blk, fd), lambda i: (i, 0)),
            pl.BlockSpec((fd, d), lambda i: (0, 0)),
        ],
        out_specs=pl.BlockSpec((rpb, 128), lambda i: (i, 0)),
        out_shape=jax.ShapeDtypeStruct((batch // 128, 128), jnp.float32),
    )(emb2d, sel)


def _combine_tc(dots128, lr128, bias11):
    rows = dots128.shape[0]

    def body(d_ref, l_ref, bias_ref, out_ref):
        out_ref[...] = d_ref[...] + l_ref[...] + bias_ref[0, 0]

    return pl.pallas_call(
        body,
        grid=(1,),
        in_specs=[
            pl.BlockSpec((rows, 128), lambda i: (0, 0)),
            pl.BlockSpec((rows, 128), lambda i: (0, 0)),
            pl.BlockSpec((1, 1), lambda i: (0, 0)),
        ],
        out_specs=pl.BlockSpec((rows, 128), lambda i: (0, 0)),
        out_shape=jax.ShapeDtypeStruct((rows, 128), jnp.float32),
    )(dots128, lr128, bias11)


def kernel(X, feature_emb, lr_table, bias):
    batch, nfields = X.shape
    vocab = lr_table.shape[1]
    d = feature_emb.shape[2]
    fd = nfields * d

    info = plsc.get_sparse_core_info()
    nw = info.num_cores * info.num_subcores
    bpw = batch // nw

    idx = X + jnp.arange(nfields, dtype=X.dtype)[None, :] * vocab
    idx_arr = (
        idx.reshape(nw, bpw, nfields)
        .transpose(0, 2, 1)
        .reshape(nw, nfields * bpw)
    )

    lr_vec = _lr_sparsecore(idx_arr, lr_table.reshape(-1), batch)

    sel = jnp.asarray(
        np.tile(np.eye(d, dtype=np.float32), (nfields, 1)))
    dots128 = _interaction_tc(feature_emb.reshape(batch, fd), sel)
    out128 = _combine_tc(dots128, lr_vec.reshape(batch // 128, 128),
                         bias.reshape(1, 1))
    return out128.reshape(batch, 1)

# --- scband reference (transcript-rebuilt; emitter-appended) ---
"""Pipeline reference for scband-fm-layer-v2-19481971655027 (READ-ONLY COPY).

The authoritative reference and input builder live on the scoring server;
editing this copy changes nothing except your own understanding.
"""

import jax, jax.numpy as jnp
import numpy as np

B, F, V, D = 16384, 26, 100000, 16

def setup_inputs(seed: int = 0):
    key = jax.random.key(seed)
    k1, k2, k3 = jax.random.split(key, 3)
    X = jax.random.randint(k1, (B, F), 0, V, dtype=jnp.int32)
    feature_emb = jax.random.normal(k2, (B, F, D), dtype=jnp.float32)
    # LR layer: per-field 1-d embedding weights, stored as [F, V]
    lr_table = jax.random.normal(k3, (F, V), dtype=jnp.float32) * 0.01
    bias = jnp.zeros((1,), dtype=jnp.float32)
    return {"X": X, "feature_emb": feature_emb, "lr_table": lr_table, "bias": bias}

def reference(X, feature_emb, lr_table, bias):
    # --- LR_Layer: embedding_dim=1 lookups per field, summed over fields, plus bias ---
    flat = lr_table.reshape(-1)                                  # [F*V]
    idx = X + jnp.arange(F, dtype=X.dtype)[None, :] * V          # per-field offset
    w = jnp.take(flat, idx)                                      # [B, F] gather
    lr_out = jnp.sum(w, axis=1, keepdims=True) + bias            # [B, 1]
    # --- InnerProductLayer_v2(output='sum'): sum of pairwise inner products ---
    # sum_{i<j} <e_i, e_j> = 0.5 * ((sum_i e_i)^2 - sum_i e_i^2), summed over dim
    sum_emb = jnp.sum(feature_emb, axis=1)                       # [B, D]
    square_of_sum = sum_emb * sum_emb                            # [B, D]
    sum_of_square = jnp.sum(feature_emb * feature_emb, axis=1)   # [B, D]
    dot_sum = 0.5 * jnp.sum(square_of_sum - sum_of_square, axis=-1, keepdims=True)  # [B, 1]
    output = dot_sum + lr_out                                    # [B, 1]
    # final_activation is None -> identity
    return output

if __name__ == "__main__":
    import jax
    _d = setup_inputs()
    print(jax.jit(kernel)(*tuple(_d.values())))

</pallas_src>

<mosaic_0001>
#map = affine_map<(d0, d1) -> (0, 0)>
#map1 = affine_map<(d0, d1) -> (0)>
module attributes {stable_mosaic.version = 14 : i64} {
  func.func @lr_kernel(%arg0: i32, %arg1: i32, %arg2: memref<32x13312xi32, #tpu.memory_space<hbm>>, %arg3: memref<2600000xf32, #tpu.memory_space<hbm>>, %arg4: memref<16384xf32, #tpu.memory_space<hbm>>, %arg5: memref<13312xi32, #tpu.memory_space<vmem>>, %arg6: memref<13312xf32, #tpu.memory_space<vmem>>, %arg7: memref<512xf32, #tpu.memory_space<vmem>>, %arg8: memref<!tpu.dma_semaphore, #tpu.memory_space<semaphore_mem>>) attributes {dimension_semantics = [#tpu.dimension_semantics<core_parallel>, #tpu.dimension_semantics<subcore_parallel>], iteration_bounds = array<i64: 2, 16>, scalar_prefetch = 0 : i64, scratch_operands = 4 : i64, tpu.core_type = #tpu.core_type<sc_vector_subcore>, window_params = [{transform_indices = #map}, {transform_indices = #map1}, {transform_indices = #map1}]} {
    %mul3A = arith.constant 2 : i32
    %mul3A_0 = arith.muli %arg1, %mul3A : i32
    %add3A = arith.addi %mul3A_0, %arg0 : i32
    "tpu.region"() ({
      %run_scoped3A = tpu.sem_alloc : memref<!tpu.dma_semaphore, #tpu.memory_space<semaphore_mem>>
      %dma_start3A_11 = arith.constant 0 : i32
      %dma_start3A_12 = tpu.memref_slice %arg2[%add3A, %dma_start3A_11] : memref<32x13312xi32, #tpu.memory_space<hbm>> -> memref<1x13312xi32, #tpu.memory_space<hbm>>
      %dma_start3A_13 = tpu.memref_squeeze %dma_start3A_12 : memref<1x13312xi32, #tpu.memory_space<hbm>> -> memref<13312xi32, #tpu.memory_space<hbm>>
      %dma_start3A_14 = arith.constant 0 : i32
      %dma_start3A_15 = tpu.memref_slice %arg2[%add3A, %dma_start3A_14] : memref<32x13312xi32, #tpu.memory_space<hbm>> -> memref<1x13312xi32, #tpu.memory_space<hbm>>
      %dma_start3A_16 = tpu.memref_squeeze %dma_start3A_15 : memref<1x13312xi32, #tpu.memory_space<hbm>> -> memref<13312xi32, #tpu.memory_space<hbm>>
      tpu.enqueue_dma source(%dma_start3A_16 : memref<13312xi32, #tpu.memory_space<hbm>>) target(%arg5 : memref<13312xi32, #tpu.memory_space<vmem>>) target_semaphore(%run_scoped3A : memref<!tpu.dma_semaphore, #tpu.memory_space<semaphore_mem>>)
      %dma_wait3A_17 = arith.constant 0 : i32
      %dma_wait3A_18 = tpu.memref_slice %arg2[%add3A, %dma_wait3A_17] : memref<32x13312xi32, #tpu.memory_space<hbm>> -> memref<1x13312xi32, #tpu.memory_space<hbm>>
      %dma_wait3A_19 = tpu.memref_squeeze %dma_wait3A_18 : memref<1x13312xi32, #tpu.memory_space<hbm>> -> memref<13312xi32, #tpu.memory_space<hbm>>
      %dma_wait3A_20 = arith.constant 0 : i32
      %dma_wait3A_21 = tpu.memref_slice %arg2[%add3A, %dma_wait3A_20] : memref<32x13312xi32, #tpu.memory_space<hbm>> -> memref<1x13312xi32, #tpu.memory_space<hbm>>
      %dma_wait3A_22 = tpu.memref_squeeze %dma_wait3A_21 : memref<1x13312xi32, #tpu.memory_space<hbm>> -> memref<13312xi32, #tpu.memory_space<hbm>>
      tpu.wait_dma2 semaphore(%run_scoped3A : memref<!tpu.dma_semaphore, #tpu.memory_space<semaphore_mem>>) src(%dma_wait3A_22 : memref<13312xi32, #tpu.memory_space<hbm>>) dst(%arg5 : memref<13312xi32, #tpu.memory_space<vmem>>)
      tpu.yield
    }) : () -> ()
    %dma_start3A = arith.constant 0 : i32
    %dma_start3A_1 = tpu.memref_slice %arg3[%dma_start3A] : memref<2600000xf32, #tpu.memory_space<hbm>> -> memref<2600000xf32, #tpu.memory_space<hbm>>
    tpu.enqueue_indirect_dma source(%dma_start3A_1 : memref<2600000xf32, #tpu.memory_space<hbm>>) target(%arg6 : memref<13312xf32, #tpu.memory_space<vmem>>) offsets(%arg5 : memref<13312xi32, #tpu.memory_space<vmem>>) semaphore(%arg8 : memref<!tpu.dma_semaphore, #tpu.memory_space<semaphore_mem>>)
    %dma_wait3A = arith.constant 0 : i32
    %dma_wait3A_2 = tpu.memref_slice %arg3[%dma_wait3A] : memref<2600000xf32, #tpu.memory_space<hbm>> -> memref<2600000xf32, #tpu.memory_space<hbm>>
    tpu.wait_indirect_dma semaphore(%arg8 : memref<!tpu.dma_semaphore, #tpu.memory_space<semaphore_mem>>) src(%dma_wait3A_2 : memref<2600000xf32, #tpu.memory_space<hbm>>) dst(%arg6 : memref<13312xf32, #tpu.memory_space<vmem>>)
    %scan3A = arith.constant 0 : i32
    %scan3A_3 = arith.constant 0 : i32
    %scan3A_4 = arith.constant 32 : i32
    %scan3A_5 = arith.addi %scan3A_3, %scan3A_4 : i32
    %scan3A_6 = arith.constant 1 : i32
    %scan3A_7 = scf.for %scan3A_11 = %scan3A_3 to %scan3A_5 step %scan3A_6 iter_args(%scan3A_12 = %scan3A) -> (i32)  : i32 {
      %mul3A_13 = arith.constant 16 : i32
      %mul3A_14 = arith.muli %scan3A_11, %mul3A_13 : i32
      %get3A = arith.index_cast %mul3A_14 : i32 to index
      %get3A_15 = tpu.vector_load %arg6[%get3A] {strides = array<i32>} : memref<13312xf32, #tpu.memory_space<vmem>>, vector<16xf32>,
      %get3A_16 = vector.shape_cast %get3A_15 : vector<16xf32> to vector<16xf32>
      %add3A_17 = arith.constant 512 : i32
      %add3A_18 = arith.addi %add3A_17, %mul3A_14 : i32
      %get3A_19 = arith.index_cast %add3A_18 : i32 to index
      %get3A_20 = tpu.vector_load %arg6[%get3A_19] {strides = array<i32>} : memref<13312xf32, #tpu.memory_space<vmem>>, vector<16xf32>,
      %get3A_21 = vector.shape_cast %get3A_20 : vector<16xf32> to vector<16xf32>
      %add3A_22 = arith.addf %get3A_16, %get3A_21 : vector<16xf32>
      %add3A_23 = arith.constant 1024 : i32
      %add3A_24 = arith.addi %add3A_23, %mul3A_14 : i32
      %get3A_25 = arith.index_cast %add3A_24 : i32 to index
      %get3A_26 = tpu.vector_load %arg6[%get3A_25] {strides = array<i32>} : memref<13312xf32, #tpu.memory_space<vmem>>, vector<16xf32>,
      %get3A_27 = vector.shape_cast %get3A_26 : vector<16xf32> to vector<16xf32>
      %add3A_28 = arith.addf %add3A_22, %get3A_27 : vector<16xf32>
      %add3A_29 = arith.constant 1536 : i32
      %add3A_30 = arith.addi %add3A_29, %mul3A_14 : i32
      %get3A_31 = arith.index_cast %add3A_30 : i32 to index
      %get3A_32 = tpu.vector_load %arg6[%get3A_31] {strides = array<i32>} : memref<13312xf32, #tpu.memory_space<vmem>>, vector<16xf32>,
      %get3A_33 = vector.shape_cast %get3A_32 : vector<16xf32> to vector<16xf32>
      %add3A_34 = arith.addf %add3A_28, %get3A_33 : vector<16xf32>
      %add3A_35 = arith.constant 2048 : i32
      %add3A_36 = arith.addi %add3A_35, %mul3A_14 : i32
      %get3A_37 = arith.index_cast %add3A_36 : i32 to index
      %get3A_38 = tpu.vector_load %arg6[%get3A_37] {strides = array<i32>} : memref<13312xf32, #tpu.memory_space<vmem>>, vector<16xf32>,
      %get3A_39 = vector.shape_cast %get3A_38 : vector<16xf32> to vector<16xf32>
      %add3A_40 = arith.addf %add3A_34, %get3A_39 : vector<16xf32>
      %add3A_41 = arith.constant 2560 : i32
      %add3A_42 = arith.addi %add3A_41, %mul3A_14 : i32
      %get3A_43 = arith.index_cast %add3A_42 : i32 to index
      %get3A_44 = tpu.vector_load %arg6[%get3A_43] {strides = array<i32>} : memref<13312xf32, #tpu.memory_space<vmem>>, vector<16xf32>,
      %get3A_45 = vector.shape_cast %get3A_44 : vector<16xf32> to vector<16xf32>
      %add3A_46 = arith.addf %add3A_40, %get3A_45 : vector<16xf32>
      %add3A_47 = arith.constant 3072 : i32
      %add3A_48 = arith.addi %add3A_47, %mul3A_14 : i32
      %get3A_49 = arith.index_cast %add3A_48 : i32 to index
      %get3A_50 = tpu.vector_load %arg6[%get3A_49] {strides = array<i32>} : memref<13312xf32, #tpu.memory_space<vmem>>, vector<16xf32>,
      %get3A_51 = vector.shape_cast %get3A_50 : vector<16xf32> to vector<16xf32>
      %add3A_52 = arith.addf %add3A_46, %get3A_51 : vector<16xf32>
      %add3A_53 = arith.constant 3584 : i32
      %add3A_54 = arith.addi %add3A_53, %mul3A_14 : i32
      %get3A_55 = arith.index_cast %add3A_54 : i32 to index
      %get3A_56 = tpu.vector_load %arg6[%get3A_55] {strides = array<i32>} : memref<13312xf32, #tpu.memory_space<vmem>>, vector<16xf32>,
      %get3A_57 = vector.shape_cast %get3A_56 : vector<16xf32> to vector<16xf32>
      %add3A_58 = arith.addf %add3A_52, %get3A_57 : vector<16xf32>
      %add3A_59 = arith.constant 4096 : i32
      %add3A_60 = arith.addi %add3A_59, %mul3A_14 : i32
      %get3A_61 = arith.index_cast %add3A_60 : i32 to index
      %get3A_62 = tpu.vector_load %arg6[%get3A_61] {strides = array<i32>} : memref<13312xf32, #tpu.memory_space<vmem>>, vector<16xf32>,
      %get3A_63 = vector.shape_cast %get3A_62 : vector<16xf32> to vector<16xf32>
      %add3A_64 = arith.addf %add3A_58, %get3A_63 : vector<16xf32>
      %add3A_65 = arith.constant 4608 : i32
      %add3A_66 = arith.addi %add3A_65, %mul3A_14 : i32
      %get3A_67 = arith.index_cast %add3A_66 : i32 to index
      %get3A_68 = tpu.vector_load %arg6[%get3A_67] {strides = array<i32>} : memref<13312xf32, #tpu.memory_space<vmem>>, vector<16xf32>,
      %get3A_69 = vector.shape_cast %get3A_68 : vector<16xf32> to vector<16xf32>
      %add3A_70 = arith.addf %add3A_64, %get3A_69 : vector<16xf32>
      %add3A_71 = arith.constant 5120 : i32
      %add3A_72 = arith.addi %add3A_71, %mul3A_14 : i32
      %get3A_73 = arith.index_cast %add3A_72 : i32 to index
      %get3A_74 = tpu.vector_load %arg6[%get3A_73] {strides = array<i32>} : memref<13312xf32, #tpu.memory_space<vmem>>, vector<16xf32>,
      %get3A_75 = vector.shape_cast %get3A_74 : vector<16xf32> to vector<16xf32>
      %add3A_76 = arith.addf %add3A_70, %get3A_75 : vector<16xf32>
      %add3A_77 = arith.constant 5632 : i32
      %add3A_78 = arith.addi %add3A_77, %mul3A_14 : i32
      %get3A_79 = arith.index_cast %add3A_78 : i32 to index
      %get3A_80 = tpu.vector_load %arg6[%get3A_79] {strides = array<i32>} : memref<13312xf32, #tpu.memory_space<vmem>>, vector<16xf32>,
      %get3A_81 = vector.shape_cast %get3A_80 : vector<16xf32> to vector<16xf32>
      %add3A_82 = arith.addf %add3A_76, %get3A_81 : vector<16xf32>
      %add3A_83 = arith.constant 6144 : i32
      %add3A_84 = arith.addi %add3A_83, %mul3A_14 : i32
      %get3A_85 = arith.index_cast %add3A_84 : i32 to index
      %get3A_86 = tpu.vector_load %arg6[%get3A_85] {strides = array<i32>} : memref<13312xf32, #tpu.memory_space<vmem>>, vector<16xf32>,
      %get3A_87 = vector.shape_cast %get3A_86 : vector<16xf32> to vector<16xf32>
      %add3A_88 = arith.addf %add3A_82, %get3A_87 : vector<16xf32>
      %add3A_89 = arith.constant 6656 : i32
      %add3A_90 = arith.addi %add3A_89, %mul3A_14 : i32
      %get3A_91 = arith.index_cast %add3A_90 : i32 to index
      %get3A_92 = tpu.vector_load %arg6[%get3A_91] {strides = array<i32>} : memref<13312xf32, #tpu.memory_space<vmem>>, vector<16xf32>,
      %get3A_93 = vector.shape_cast %get3A_92 : vector<16xf32> to vector<16xf32>
      %add3A_94 = arith.addf %add3A_88, %get3A_93 : vector<16xf32>
      %add3A_95 = arith.constant 7168 : i32
      %add3A_96 = arith.addi %add3A_95, %mul3A_14 : i32
      %get3A_97 = arith.index_cast %add3A_96 : i32 to index
      %get3A_98 = tpu.vector_load %arg6[%get3A_97] {strides = array<i32>} : memref<13312xf32, #tpu.memory_space<vmem>>, vector<16xf32>,
      %get3A_99 = vector.shape_cast %get3A_98 : vector<16xf32> to vector<16xf32>
      %add3A_100 = arith.addf %add3A_94, %get3A_99 : vector<16xf32>
      %add3A_101 = arith.constant 7680 : i32
      %add3A_102 = arith.addi %add3A_101, %mul3A_14 : i32
      %get3A_103 = arith.index_cast %add3A_102 : i32 to index
      %get3A_104 = tpu.vector_load %arg6[%get3A_103] {strides = array<i32>} : memref<13312xf32, #tpu.memory_space<vmem>>, vector<16xf32>,
      %get3A_105 = vector.shape_cast %get3A_104 : vector<16xf32> to vector<16xf32>
      %add3A_106 = arith.addf %add3A_100, %get3A_105 : vector<16xf32>
      %add3A_107 = arith.constant 8192 : i32
      %add3A_108 = arith.addi %add3A_107, %mul3A_14 : i32
      %get3A_109 = arith.index_cast %add3A_108 : i32 to index
      %get3A_110 = tpu.vector_load %arg6[%get3A_109] {strides = array<i32>} : memref<13312xf32, #tpu.memory_space<vmem>>, vector<16xf32>,
      %get3A_111 = vector.shape_cast %get3A_110 : vector<16xf32> to vector<16xf32>
      %add3A_112 = arith.addf %add3A_106, %get3A_111 : vector<16xf32>
      %add3A_113 = arith.constant 8704 : i32
      %add3A_114 = arith.addi %add3A_113, %mul3A_14 : i32
      %get3A_115 = arith.index_cast %add3A_114 : i32 to index
      %get3A_116 = tpu.vector_load %arg6[%get3A_115] {strides = array<i32>} : memref<13312xf32, #tpu.memory_space<vmem>>, vector<16xf32>,
      %get3A_117 = vector.shape_cast %get3A_116 : vector<16xf32> to vector<16xf32>
      %add3A_118 = arith.addf %add3A_112, %get3A_117 : vector<16xf32>
      %add3A_119 = arith.constant 9216 : i32
      %add3A_120 = arith.addi %add3A_119, %mul3A_14 : i32
      %get3A_121 = arith.index_cast %add3A_120 : i32 to index
      %get3A_122 = tpu.vector_load %arg6[%get3A_121] {strides = array<i32>} : memref<13312xf32, #tpu.memory_space<vmem>>, vector<16xf32>,
      %get3A_123 = vector.shape_cast %get3A_122 : vector<16xf32> to vector<16xf32>
      %add3A_124 = arith.addf %add3A_118, %get3A_123 : vector<16xf32>
      %add3A_125 = arith.constant 9728 : i32
      %add3A_126 = arith.addi %add3A_125, %mul3A_14 : i32
      %get3A_127 = arith.index_cast %add3A_126 : i32 to index
      %get3A_128 = tpu.vector_load %arg6[%get3A_127] {strides = array<i32>} : memref<13312xf32, #tpu.memory_space<vmem>>, vector<16xf32>,
      %get3A_129 = vector.shape_cast %get3A_128 : vector<16xf32> to vector<16xf32>
      %add3A_130 = arith.addf %add3A_124, %get3A_129 : vector<16xf32>
      %add3A_131 = arith.constant 10240 : i32
      %add3A_132 = arith.addi %add3A_131, %mul3A_14 : i32
      %get3A_133 = arith.index_cast %add3A_132 : i32 to index
      %get3A_134 = tpu.vector_load %arg6[%get3A_133] {strides = array<i32>} : memref<13312xf32, #tpu.memory_space<vmem>>, vector<16xf32>,
      %get3A_135 = vector.shape_cast %get3A_134 : vector<16xf32> to vector<16xf32>
      %add3A_136 = arith.addf %add3A_130, %get3A_135 : vector<16xf32>
      %add3A_137 = arith.constant 10752 : i32
      %add3A_138 = arith.addi %add3A_137, %mul3A_14 : i32
      %get3A_139 = arith.index_cast %add3A_138 : i32 to index
      %get3A_140 = tpu.vector_load %arg6[%get3A_139] {strides = array<i32>} : memref<13312xf32, #tpu.memory_space<vmem>>, vector<16xf32>,
      %get3A_141 = vector.shape_cast %get3A_140 : vector<16xf32> to vector<16xf32>
      %add3A_142 = arith.addf %add3A_136, %get3A_141 : vector<16xf32>
      %add3A_143 = arith.constant 11264 : i32
      %add3A_144 = arith.addi %add3A_143, %mul3A_14 : i32
      %get3A_145 = arith.index_cast %add3A_144 : i32 to index
      %get3A_146 = tpu.vector_load %arg6[%get3A_145] {strides = array<i32>} : memref<13312xf32, #tpu.memory_space<vmem>>, vector<16xf32>,
      %get3A_147 = vector.shape_cast %get3A_146 : vector<16xf32> to vector<16xf32>
      %add3A_148 = arith.addf %add3A_142, %get3A_147 : vector<16xf32>
      %add3A_149 = arith.constant 11776 : i32
      %add3A_150 = arith.addi %add3A_149, %mul3A_14 : i32
      %get3A_151 = arith.index_cast %add3A_150 : i32 to index
      %get3A_152 = tpu.vector_load %arg6[%get3A_151] {strides = array<i32>} : memref<13312xf32, #tpu.memory_space<vmem>>, vector<16xf32>,
      %get3A_153 = vector.shape_cast %get3A_152 : vector<16xf32> to vector<16xf32>
      %add3A_154 = arith.addf %add3A_148, %get3A_153 : vector<16xf32>
      %add3A_155 = arith.constant 12288 : i32
      %add3A_156 = arith.addi %add3A_155, %mul3A_14 : i32
      %get3A_157 = arith.index_cast %add3A_156 : i32 to index
      %get3A_158 = tpu.vector_load %arg6[%get3A_157] {strides = array<i32>} : memref<13312xf32, #tpu.memory_space<vmem>>, vector<16xf32>,
      %get3A_159 = vector.shape_cast %get3A_158 : vector<16xf32> to vector<16xf32>
      %add3A_160 = arith.addf %add3A_154, %get3A_159 : vector<16xf32>
      %add3A_161 = arith.constant 12800 : i32
      %add3A_162 = arith.addi %add3A_161, %mul3A_14 : i32
      %get3A_163 = arith.index_cast %add3A_162 : i32 to index
      %get3A_164 = tpu.vector_load %arg6[%get3A_163] {strides = array<i32>} : memref<13312xf32, #tpu.memory_space<vmem>>, vector<16xf32>,
      %get3A_165 = vector.shape_cast %get3A_164 : vector<16xf32> to vector<16xf32>
      %add3A_166 = arith.addf %add3A_160, %get3A_165 : vector<16xf32>
      %swap3A = arith.index_cast %mul3A_14 : i32 to index
      %swap3A_167 = tpu.vector_load %arg7[%swap3A] {strides = array<i32>} : memref<512xf32, #tpu.memory_space<vmem>>, vector<16xf32>,
      %swap3A_168 = vector.shape_cast %swap3A_167 : vector<16xf32> to vector<16xf32>
      %swap3A_169 = vector.shape_cast %add3A_166 : vector<16xf32> to vector<16xf32>
      tpu.vector_store %arg7[%swap3A], %swap3A_169 {strides = array<i32>} : memref<512xf32, #tpu.memory_space<vmem>>, vector<16xf32>,
      %scan3A_170 = arith.constant 0 : i32
      scf.yield %scan3A_170 : i32
    }
    %scan3A_8 = arith.constant 32 : i32
    %mul3A_9 = arith.constant 512 : i32
    %mul3A_10 = arith.muli %add3A, %mul3A_9 : i32
    "tpu.region"() ({
      %run_scoped3A = tpu.sem_alloc : memref<!tpu.dma_semaphore, #tpu.memory_space<semaphore_mem>>
      %dma_start3A_11 = tpu.memref_slice %arg4[%mul3A_10] : memref<16384xf32, #tpu.memory_space<hbm>> -> memref<512xf32, #tpu.memory_space<hbm>>
      %dma_start3A_12 = tpu.memref_slice %arg4[%mul3A_10] : memref<16384xf32, #tpu.memory_space<hbm>> -> memref<512xf32, #tpu.memory_space<hbm>>
      tpu.enqueue_dma source(%arg7 : memref<512xf32, #tpu.memory_space<vmem>>) target(%dma_start3A_12 : memref<512xf32, #tpu.memory_space<hbm>>) target_semaphore(%run_scoped3A : memref<!tpu.dma_semaphore, #tpu.memory_space<semaphore_mem>>)
      %dma_wait3A_13 = tpu.memref_slice %arg4[%mul3A_10] : memref<16384xf32, #tpu.memory_space<hbm>> -> memref<512xf32, #tpu.memory_space<hbm>>
      %dma_wait3A_14 = tpu.memref_slice %arg4[%mul3A_10] : memref<16384xf32, #tpu.memory_space<hbm>> -> memref<512xf32, #tpu.memory_space<hbm>>
      tpu.wait_dma2 semaphore(%run_scoped3A : memref<!tpu.dma_semaphore, #tpu.memory_space<semaphore_mem>>) src(%arg7 : memref<512xf32, #tpu.memory_space<vmem>>) dst(%dma_wait3A_14 : memref<512xf32, #tpu.memory_space<hbm>>)
      tpu.yield
    }) : () -> ()
    return
  }
}

module attributes {stable_mosaic.version = 14 : i64} {
  func.func @body(%arg0: i32, %arg1: memref<1024x416xf32, #tpu.memory_space<vmem>>, %arg2: memref<416x16xf32, #tpu.memory_space<vmem>>, %arg3: memref<8x128xf32, #tpu.memory_space<vmem>>) attributes {dimension_semantics = [#tpu.dimension_semantics<arbitrary>], iteration_bounds = array<i64: 16>, scalar_prefetch = 0 : i64, scratch_operands = 0 : i64, tpu.core_type = #tpu.core_type<tc>, window_params = [{transform_indices = @transform_0, window_bounds = array<i64: 1024, 416>}, {pipeline_mode = #tpu.pipeline_mode<synchronous>, transform_indices = @transform_1, window_bounds = array<i64: 416, 16>}, {transform_indices = @transform_2, window_bounds = array<i64: 8, 128>}]} {
    %get3A = arith.constant 0 : index
    %get3A_0 = arith.constant 0 : index
    %get3A_1 = vector.load %arg1[%get3A, %get3A_0] : memref<1024x416xf32, #tpu.memory_space<vmem>>, vector<1024x416xf32>
    %mul3A = arith.mulf %get3A_1, %get3A_1 : vector<1024x416xf32>
    %reduce_sum3A = arith.constant dense<0.000000e+00> : vector<1024xf32>
    %reduce_sum3A_2 = vector.multi_reduction <add>, %mul3A, %reduce_sum3A [1] : vector<1024x416xf32> to vector<1024xf32>
    %get3A_3 = arith.constant 0 : index
    %get3A_4 = arith.constant 0 : index
    %get3A_5 = vector.load %arg2[%get3A_3, %get3A_4] : memref<416x16xf32, #tpu.memory_space<vmem>>, vector<416x16xf32>
    %dot_general3A = arith.constant dense<0.000000e+00> : vector<1024x16xf32>
    %dot_general3A_6 = tpu.matmul %get3A_1, %get3A_5, %dot_general3A {dimension_numbers = #tpu.dot_dimension_numbers<[1], [0], [0], [1], [0, 0, 1, 1], [], []>, transpose_lhs_hint = false} : vector<1024x416xf32>, vector<416x16xf32>, vector<1024x16xf32> -> vector<1024x16xf32>
    %mul3A_7 = arith.mulf %dot_general3A_6, %dot_general3A_6 : vector<1024x16xf32>
    %reduce_sum3A_8 = arith.constant dense<0.000000e+00> : vector<1024xf32>
    %reduce_sum3A_9 = vector.multi_reduction <add>, %mul3A_7, %reduce_sum3A_8 [1] : vector<1024x16xf32> to vector<1024xf32>
    %sub3A = arith.subf %reduce_sum3A_9, %reduce_sum3A_2 : vector<1024xf32>
    %mul3A_10 = arith.constant 5.000000e-01 : f32
    %mul3A_11 = vector.broadcast %mul3A_10 : f32 to vector<1024xf32>
    %mul3A_12 = arith.mulf %mul3A_11, %sub3A : vector<1024xf32>
    %reshape3A = vector.shape_cast %mul3A_12 : vector<1024xf32> to vector<8x128xf32>
    %swap3A = arith.constant 0 : index
    %swap3A_13 = arith.constant 0 : index
    %swap3A_14 = vector.load %arg3[%swap3A, %swap3A_13] : memref<8x128xf32, #tpu.memory_space<vmem>>, vector<8x128xf32>
    tpu.vector_store %arg3[%swap3A, %swap3A_13], %reshape3A {strides = array<i32>} : memref<8x128xf32, #tpu.memory_space<vmem>>, vector<8x128xf32>,
    return
  }
  func.func @transform_0(%arg0: i32) -> (i32, i32) {
    %c0_i32 = arith.constant 0 : i32
    %c0_i32_0 = arith.constant 0 : i32
    return %arg0, %c0_i32 : i32, i32
  }
  func.func @transform_1(%arg0: i32) -> (i32, i32) {
    %c0_i32 = arith.constant 0 : i32
    %c0_i32_0 = arith.constant 0 : i32
    %c0_i32_1 = arith.constant 0 : i32
    return %c0_i32, %c0_i32_0 : i32, i32
  }
  func.func @transform_2(%arg0: i32) -> (i32, i32) {
    %c0_i32 = arith.constant 0 : i32
    %c0_i32_0 = arith.constant 0 : i32
    return %arg0, %c0_i32 : i32, i32
  }
}

module attributes {stable_mosaic.version = 14 : i64} {
  func.func @body(%arg0: i32, %arg1: memref<128x128xf32, #tpu.memory_space<vmem>>, %arg2: memref<128x128xf32, #tpu.memory_space<vmem>>, %arg3: memref<1x1xf32, #tpu.memory_space<vmem>>, %arg4: memref<128x128xf32, #tpu.memory_space<vmem>>) attributes {dimension_semantics = [#tpu.dimension_semantics<arbitrary>], iteration_bounds = array<i64: 1>, scalar_prefetch = 0 : i64, scratch_operands = 0 : i64, tpu.core_type = #tpu.core_type<tc>, window_params = [{pipeline_mode = #tpu.pipeline_mode<synchronous>, transform_indices = @transform_0, window_bounds = array<i64: 128, 128>}, {pipeline_mode = #tpu.pipeline_mode<synchronous>, transform_indices = @transform_1, window_bounds = array<i64: 128, 128>}, {pipeline_mode = #tpu.pipeline_mode<synchronous>, transform_indices = @transform_2, window_bounds = array<i64: 1, 1>}, {pipeline_mode = #tpu.pipeline_mode<synchronous>, transform_indices = @transform_3, window_bounds = array<i64: 128, 128>}]} {
    %get3A = arith.constant 0 : index
    %get3A_0 = arith.constant 0 : index
    %get3A_1 = vector.load %arg1[%get3A, %get3A_0] : memref<128x128xf32, #tpu.memory_space<vmem>>, vector<128x128xf32>
    %get3A_2 = arith.constant 0 : index
    %get3A_3 = arith.constant 0 : index
    %get3A_4 = vector.load %arg2[%get3A_2, %get3A_3] : memref<128x128xf32, #tpu.memory_space<vmem>>, vector<128x128xf32>
    %add3A = arith.addf %get3A_1, %get3A_4 : vector<128x128xf32>
    %get3A_5 = arith.constant 0 : index
    %get3A_6 = arith.constant 0 : index
    %get3A_7 = vector.load %arg3[%get3A_5, %get3A_6] : memref<1x1xf32, #tpu.memory_space<vmem>>, vector<1x1xf32>
    %get3A_8 = vector.extract %get3A_7[0, 0] : f32 from vector<1x1xf32>
    %add3A_9 = vector.broadcast %get3A_8 : f32 to vector<128x128xf32>
    %add3A_10 = arith.addf %add3A, %add3A_9 : vector<128x128xf32>
    %swap3A = arith.constant 0 : index
    %swap3A_11 = arith.constant 0 : index
    %swap3A_12 = vector.load %arg4[%swap3A, %swap3A_11] : memref<128x128xf32, #tpu.memory_space<vmem>>, vector<128x128xf32>
    tpu.vector_store %arg4[%swap3A, %swap3A_11], %add3A_10 {strides = array<i32>} : memref<128x128xf32, #tpu.memory_space<vmem>>, vector<128x128xf32>,
    return
  }
  func.func @transform_0(%arg0: i32) -> (i32, i32) {
    %c0_i32 = arith.constant 0 : i32
    %c0_i32_0 = arith.constant 0 : i32
    %c0_i32_1 = arith.constant 0 : i32
    return %c0_i32, %c0_i32_0 : i32, i32
  }
  func.func @transform_1(%arg0: i32) -> (i32, i32) {
    %c0_i32 = arith.constant 0 : i32
    %c0_i32_0 = arith.constant 0 : i32
    %c0_i32_1 = arith.constant 0 : i32
    return %c0_i32, %c0_i32_0 : i32, i32
  }
  func.func @transform_2(%arg0: i32) -> (i32, i32) {
    %c0_i32 = arith.constant 0 : i32
    %c0_i32_0 = arith.constant 0 : i32
    %c0_i32_1 = arith.constant 0 : i32
    return %c0_i32, %c0_i32_0 : i32, i32
  }
  func.func @transform_3(%arg0: i32) -> (i32, i32) {
    %c0_i32 = arith.constant 0 : i32
    %c0_i32_0 = arith.constant 0 : i32
    %c0_i32_1 = arith.constant 0 : i32
    return %c0_i32, %c0_i32_0 : i32, i32
  }
}

</mosaic_0001>

<sc_bundles>
// kernel: kernel.5.cloned.1.call-start
scs
__scs_entry_jumppad:
0x0: {  	(pc) =	sbr.rel $0x88, $3  }
0x1: {  	(tag) =	ssettag $0x0;
	lr =	simm.s32 $0x1  }
0x2: {  	[smem:$0x3F9D] =	sst lr;
	_ =	strace $0xD0000000  }
0x3: {  	_ = 	snop  }
0x4: {  	_ = 	snop  }
0x5: {  	_ = 	snop  }
0x6: {  	_ = 	snop  }
0x7: {  	_ = 	snop  }
__scs_overlays_trampoline_lowered:
0x8: {  	[smem:$0x3FAC] =	sst s0  }
0x9: {  	[smem:$0x3FAD] =	sst s1  }
0xa: {  	[smem:$0x3FAE] =	sst s2  }
0xb: {  	[smem:$0x3FAF] =	sst s3  }
0xc: {  	[smem:$0x3FB0] =	sst s4  }
0xd: {  	[smem:$0x3FB1] =	sst s5  }
0xe: {  	[smem:$0x3FB2] =	sst s6  }
0xf: {  	[smem:$0x3FB3] =	sst s7  }
0x10: {  	[smem:$0x3FB4] =	sst s8  }
0x11: {  	[smem:$0x3FB5] =	sst s9;
	s0 =	simm.s32 @!p0 $0x0  }
0x12: {  	s1 =	sld [smem:$0x3F9B];
	s0 =	simm.s32 @p0 $0x1  }
0x13: {  	[smem:$0x3FB6] =	sst s0;
	s0 =	simm.s32 @!p1 $0x0  }
0x14: {  	s2 =	sld [smem:$0x3F9A];
	s0 =	simm.s32 @p1 $0x1  }
0x15: {  	[smem:$0x3FB7] =	sst s0;
	s0 =	simm.s32 @!p2 $0x0  }
0x16: {  	s3 =	sld [smem:$0x3FDB];
	s0 =	simm.s32 @p2 $0x1  }
0x17: {  	s4 =	simm.s32 $0x1BF5;
	[smem:$0x3FB9] =	sst s0  }
0x18: {  	s0 =	sld [smem:$0x3F9C];
	_ =	swait.ge [sflag:s4], $0x0  }
0x19: {  	s7 =	sld [smem:$0x3F9D]  }
0x1a: {  	s8 =	sadd.s32 $0xFFFFE003, lr  }
0x1b: {  	s9 =	sadd.s32 $0xFFFFFEF7, lr;
	s5 =	simm.s32 $0xFFFFFFFF;
	p2 =	slt.u32 s8, $0xFFFFF086  }
0x1c: {  	p1 =	slt.u32 s9, $0xF7A;
	s5 =	simm.s32 @!p2 $0x0  }
0x1d: {  	s5 =	simm.s32 @p1 $0x1;
	p0 =	seq.s32 s7, s2  }
0x1e: {  	s7 =	smul.u32 @!p0 $0xF7A, s2;
	p2 =	seq.s32 @!p0 s5, $0x0  }
0x1f: {  	s9 =	smul.u32 $0xF7A, s1;
	s8 =	simm.s32 @!p0 $0x1BF5;
	p2 =	por !p2, p0  }
0x20: {  	[sflag:s8] =	ssyncset.s32 @!p0 $0xFFFFF086;
	s6 =	sadd.s32 @!p0 s3, s7;
	s7 =	simm.s32 @!p0 $0x108  }
0x21: {  	s3 =	sadd.s32 s3, s9;
	s6 =	sadd.s32 @!p0 $0x88, s6;
	s7 =	simm.s32 @p2 $0x1082  }
0x22: {  	[simem:s7], [sflag:s8] =	dma.local @!p0 [hbm:s6], $0xF7A  }
0x23: {  	s9 =	sor.u32 $0xD0000000, s2;
	s6 =	simm.s32 $0x108;
	_ =	swait.ge @!p0 [sflag:s8], $0x0  }
0x24: {  	s3 =	sadd.s32 $0x88, s3;
	s6 =	simm.s32 @!p1 $0x1082;
	[sflag:s4] =	ssyncset.s32 $0xFFFFF086  }
0x25: {  	[simem:s6], [sflag:s4] =	dma.local [hbm:s3], $0xF7A  }
0x26: {  	[smem:$0x3F9D] =	sst s1;
	(tag) =	ssettag s2;
	_ =	strace s9  }
0x27: {  	s1 =	sld [smem:$0x3FAD]  }
0x28: {  	s2 =	sld [smem:$0x3FAE]  }
0x29: {  	s4 =	sld [smem:$0x3FB0]  }
0x2a: {  	p0 =	seq.s32 s5, $0x0;
	s5 =	sld [smem:$0x3FB1]  }
0x2b: {  	s6 =	sld [smem:$0x3FB2]  }
0x2c: {  	s7 =	sld [smem:$0x3FB3]  }
0x2d: {  	s3 =	simm.s32 $0x108;
	s8 =	sld [smem:$0x3FB4]  }
0x2e: {  	s3 =	simm.s32 @!p0 $0x1082;
	s9 =	sld [smem:$0x3FB5]  }
0x2f: {  	lr =	sadd.s32 s0, s3;
	s0 =	sld [smem:$0x3FAC]  }
0x30: {  	s3 =	sld [smem:$0x3FAF]  }
0x31: {  	[smem:$0x3FB8] =	sst s10  }
0x32: {  	s10 =	sld [smem:$0x3FB6];
	_ =	sdelay $0x3  }
0x33: {  	p0 =	seq.s32 s10, $0x1;
	s10 =	sld [smem:$0x3FB8];
	_ =	sdelay $0x3  }
0x34: {  	[smem:$0x3FB8] =	sst s10  }
0x35: {  	s10 =	sld [smem:$0x3FB7];
	_ =	sdelay $0x3  }
0x36: {  	p1 =	seq.s32 s10, $0x1;
	s10 =	sld [smem:$0x3FB8];
	_ =	sdelay $0x3  }
0x37: {  	[smem:$0x3FB8] =	sst s10  }
0x38: {  	s10 =	sld [smem:$0x3FB9]  }
0x39: {  	_ = 	snop;
	(pc) =	sbr.ind lr, $3  }
0x3a: {  	_ = 	snop  }
0x3b: {  	_ = 	snop  }
0x3c: {  	p2 =	seq.s32 s10, $0x1;
	s10 =	sld [smem:$0x3FB8]  }
0x3d: {  	_ =	shalt  }
0x3e: {  	_ =	shalt  }
0x3f: {  	_ =	shalt  }
0x40: {  	_ =	shalt  }
0x41: {  	_ =	shalt  }
0x42: {  	_ =	shalt  }
0x43: {  	_ =	shalt  }
0x44: {  	_ =	shalt  }
0x45: {  	_ =	shalt  }
0x46: {  	_ =	shalt  }
0x47: {  	_ =	shalt  }
0x48: {  	_ =	shalt  }
0x49: {  	_ =	shalt  }
0x4a: {  	_ =	shalt  }
0x4b: {  	_ =	shalt  }
0x4c: {  	_ =	shalt  }
0x4d: {  	_ =	shalt  }
0x4e: {  	_ =	shalt  }
0x4f: {  	_ =	shalt  }
0x50: {  	_ =	shalt  }
0x51: {  	_ =	shalt  }
0x52: {  	_ =	shalt  }
0x53: {  	_ =	shalt  }
0x54: {  	_ =	shalt  }
0x55: {  	_ =	shalt  }
0x56: {  	_ =	shalt  }
0x57: {  	_ =	shalt  }
0x58: {  	_ =	shalt  }
0x59: {  	_ =	shalt  }
0x5a: {  	_ =	shalt  }
0x5b: {  	_ =	shalt  }
0x5c: {  	_ =	shalt  }
0x5d: {  	_ =	shalt  }
0x5e: {  	_ =	shalt  }
0x5f: {  	_ =	shalt  }
0x60: {  	_ =	shalt  }
0x61: {  	_ =	shalt  }
0x62: {  	_ =	shalt  }
0x63: {  	_ =	shalt  }
0x64: {  	_ =	shalt  }
0x65: {  	_ =	shalt  }
0x66: {  	_ =	shalt  }
0x67: {  	_ =	shalt  }
0x68: {  	_ =	shalt  }
0x69: {  	_ =	shalt  }
0x6a: {  	_ =	shalt  }
0x6b: {  	_ =	shalt  }
0x6c: {  	_ =	shalt  }
0x6d: {  	_ =	shalt  }
0x6e: {  	_ =	shalt  }
0x6f: {  	_ =	shalt  }
0x70: {  	_ =	shalt  }
0x71: {  	_ =	shalt  }
0x72: {  	_ =	shalt  }
0x73: {  	_ =	shalt  }
0x74: {  	_ =	shalt  }
0x75: {  	_ =	shalt  }
0x76: {  	_ =	shalt  }
0x77: {  	_ =	shalt  }
0x78: {  	_ =	shalt  }
0x79: {  	_ =	shalt  }
0x7a: {  	_ =	shalt  }
0x7b: {  	_ =	shalt  }
0x7c: {  	_ =	shalt  }
0x7d: {  	_ =	shalt  }
0x7e: {  	_ =	shalt  }
0x7f: {  	_ =	shalt  }
0x80: {  	_ =	shalt  }
0x81: {  	_ =	shalt  }
0x82: {  	_ =	shalt  }
0x83: {  	_ =	shalt  }
0x84: {  	_ =	shalt  }
0x85: {  	_ =	shalt  }
0x86: {  	_ =	shalt  }
0x87: {  	_ =	shalt  }
.Lfunc_end0:
.L_simem_size_0:
called_computation_lowered:
.L_overlay_start_0:
0x88: {  	s2 =	sld [smem:$0x3FD9]  }
0x89: {  	s3 =	sld [smem:$0x3FFE];
	_ =	sdelay $0x1  }
0x8a: {  	s1 =	srdreg.scid  }
0x8b: {  	s0 =	sand.u32 $0x1, s1  }
0x8c: {  	s17 =	sshll.u32 s0, $0xA;
	s2 =	sadd.s32 s3, s2  }
0x8d: {  	s2 =	sadd.s32 s2, s17  }
0x8e: {  	[smem:$0x3FC4] =	sst s2  }
0x8f: {  	_ = 	snop  }
0x90: {  	s2 =	sld [smem:$0x3FD0];
	(tm) =	ssettm $0x1  }
0x91: {  	s18 =	sld [smem:$0x3FFB];
	_ =	sdelay $0x3  }
0x92: {  	_ =	strace s18  }
0x93: {  	s3 =	sld [smem:$0x3FFC];
	_ =	sdelay $0x3  }
0x94: {  	_ =	strace s3  }
0x95: {  	s3 =	sld [smem:$0x3FFD];
	_ =	sdelay $0x3  }
0x96: {  	_ =	strace s3  }
0x97: {  	_ =	strace $0x8FFFFFFF  }
0x98: {  	s19 =	sld [smem:$0x3FDB];
	_ =	sdelay $0x1  }
0x99: {  	s4 =	simm.s32 $_scs_section_size  }
0x9a: {  	s5 =	simm.s32 $_size__tile_overlayer_lowered;
	s6 =	simm.s32 $_tile_overlayer_lowered  }
0x9b: {  	s22 =	simm.s32 $0x1BFF;
	s21 =	sshll.u32 s6, $0x1;
	s3 =	sadd.s32 s4, s19  }
0x9c: {  	s7 =	simm.s32 $0x0;
	s20 =	sshll.u32 s5, $0x1;
	s5 =	sadd.s32 s21, s3  }
0x9d: {  	[timem:s7], [sflag:s22] =	dma.local [hbm:s5], s20  }
0x9e: {  	_ =	swait.ge [sflag:s22], s20  }
0x9f: {  	s4 =	ssub.s32 $0x0, s20;
	[sflag:s22] =	ssyncset.done $0x0  }
0xa0: {  	[sflag:s22] =	ssyncadd.s32 s4;
	_ =	sdelay $0x1  }
0xa1: {  	s23 =	simm.s32 $0x1B8B  }
0xa2: {  	_ =	swait.ge [sflag:s23], $0x1  }
0xa3: {  	[sflag:s23] =	ssyncset.done $0x0  }
0xa4: {  	s25 =	simm.s32 $0x1B8E;
	s24 =	sld [smem:$0x3FFE];
	[sflag:s23] =	ssyncadd.s32 $0xFFFFFFFF  }
0xa5: {  	s26 =	simm.s32 $execute0_lowered;
	[smem:$0x3FD2] =	sst s25  }
0xa6: {  	s5 =	sshll.u32 s26, $0x1;
	_ =	strace $0x80000046;
	[dreg:$0x1] =	wrdreg $0xFFFFFFFF  }
0xa7: {  	s28 =	simm.s32 $_size_execute0_lowered;
	s3 =	sadd.s32 s3, s5;
	[dreg:$0x0] =	wrdreg $0x0  }
0xa8: {  	s5 =	sshll.u32 s28, $0x1;
	[dreg:$0x2] =	wrdreg s3  }
0xa9: {  	[dreg:$0x3] =	wrdreg s5  }
0xaa: {  	[dreg:$0x4] =	wrdreg $0xC0  }
0xab: {  	_ =	task [dreg:s7], $0x5FFFF  }
0xac: {  	[dreg:$0x1] =	wrdreg $0xFFFFFFFF  }
0xad: {  	[dreg:$0x0] =	wrdreg $0x60  }
0xae: {  	[dreg:$0x2] =	wrdreg s24  }
0xaf: {  	[dreg:$0x3] =	wrdreg s2  }
0xb0: {  	[dreg:$0x4] =	wrdreg $0x9  }
0xb1: {  	_ =	task.clear_ibuf [dreg:s7], $0x5FFFF;
	_ =	strace $0x90000046  }
0xb2: {  	s29 =	simm.s32 $0x9;
	_ =	strace $0x80000048  }
0xb3: {  	_ =	swait.ge [sflag:s29], $0x1  }
0xb4: {  	[sflag:s29] =	ssyncadd.s32 $0xFFFFFFFF  }
0xb5: {  	_ =	strace $0x90000048  }
0xb6: {  	_ =	sfence  }
0xb7: {  	s30 =	sld [smem:$0x0];
	_ =	sdelay $0x2  }
0xb8: {  	s31 =	sshll.u32 s1, $0xD;
	s1 =	sshrl.u32 s1, $0x2  }
0xb9: {  	s3 =	sand.u32 $0x4000, s31;
	s1 =	sadd.s32 s1, s30  }
0xba: {  	s0 =	sor.u32 s3, s0;
	s1 =	sshll.u32 s1, $0x11  }
0xbb: {  	s0 =	sor.u32 s1, s0  }
0xbc: {  	s0 =	sadd.s32 $0x8F2B, s0  }
0xbd: {  	[sflag:s0] =	ssyncadd.remote.s32 $0x1  }
0xbe: {  	_ =	sfence.sel $0xFFFF  }
0xbf: {  	[dreg:$0x0] =	wrdreg $0xFFFFFFFF;
	(pc) =	sbr.abs _section_cstart, $3  }
0xc0: {  	[dreg:$0x1] =	wrdreg $0xFFFFFFFF  }
0xc1: {  	_ =	task.clear_ibuf [dreg:s7], $0x2FFFF;
	_ =	strace $0x9FFFFFFF  }
0xc2: {  	(tm) =	ssettm $0x7FFFFFFF  }
0xc3: {  	_ =	shalt  }
tec
execute0_lowered:
.L_overlay_start_1:
0x0: {  	(tag) =	ssettag $0x1  }
0x1: {  	s1 =	srdreg.scid;
	s5 =	rddreg [dreg:$0x0]  }
0x2: {  	s0 =	stileid.u32;
	s7 =	rddreg [dreg:$0x1];
	s2 =	simm.s32 $0x0  }
0x3: {  	s10 =	simm.s32 $0x1;
	s11 =	simm.s32 $0x6800;
	s12 =	simm.s32 $0x0  }
0x4: {  	s3 =	sand.u32 $0x1, s1;
	s26 =	sshll.u32 s0, $0x1;
	s1 =	rddreg [dreg:$0x2]  }
0x5: {  	s28 =	sshrl.u32 s0, $0x2;
	[smem:$0x7FF] =	sst s2;
	s4 =	sor.u32 s3, s26  }
0x6: {  	s6 =	smul.u32 $0x1A000, s28;
	s30 =	ssub.s32 $0x2, s3;
	s29 =	sshll.u32 s4, $0x7  }
0x7: {  	_ =	strace $0x80000047;
	s3 =	sadd.s32 $0x2600, s5;
	s8 =	sand.u32 $0x380, s29  }
0x8: {  	s9 =	sshrl.u32 s30, $0x1;
	s31 =	sshll.u32 s4, $0x6;
	s6 =	sor.u32 s6, s8  }
0x9: {  	s8 =	ssub.s32 s30, s9;
	s9 =	simm.s32 $0x2;
	s6 =	sshrl.u32 s6, $0x3  }
0xa: {  	s6 =	sadd.s32 s6, s5;
	s5 =	sadd.s32 s7, s31;
	s7 =	simm.s32 $0x80  }
0xb: {  	s4 =	sadd.s32 $0x51C00, s6;
	s6 =	smax.u32 s8, $0x1;
	s8 =	simm.s32 $0x400  }
.LBB2_1:
0xc: {  	[tilespmem:s2], [sflag:$0x2] =	stream.strided.gather [hbm4b:s4+s7], $0x3400, s8, s7, $0x38;
	[tilespmem:$0x6A00] =	vst v63  }
0xd: {  	_ =	swait.ge [sflag:s9], $0x3400  }
0xe: {  	[sflag:s9] =	ssyncset.done $0x0  }
0xf: {  	s13 =	simm.s32 $0x3400;
	[sflag:s9] =	ssyncadd.s32 $0xFFFFCC00  }
0x10: {  	[tilespmem:s13], [sflag:$0x1] =	stream.indirect.gather [hbm4b:s3+s13], $0x1, s2, s13, $0xb8;
	[tilespmem:$0x6A00] =	vst v63  }
0x11: {  	_ =	swait.ge [sflag:s10], $0x3400  }
0x12: {  	[sflag:s10] =	ssyncset.done $0x0  }
0x13: {  	s14 =	sand.u32 $0x1F0, s2;
	[sflag:s10] =	ssyncadd.s32 $0xFFFFCC00  }
0x14: {  	v0 =	vld [tilespmem:s14+$0x3600]  }
0x15: {  	v1 =	vld [tilespmem:s13+$0x0];
	_ =	sdelay $0x1  }
0x16: {  	v2 =	vld [tilespmem:s14+$0x3800];
	_ =	sdelay $0x1  }
0x17: {  	v3 =	vld [tilespmem:s14+$0x3A00]  }
0x18: {  	v0 =	vadd.f32 v0, v1  }
0x19: {  	v1 =	vld [tilespmem:s14+$0x3C00]  }
0x1a: {  	v0 =	vadd.f32 v2, v0  }
0x1b: {  	v2 =	vld [tilespmem:s14+$0x3E00]  }
0x1c: {  	v0 =	vadd.f32 v3, v0  }
0x1d: {  	v3 =	vld [tilespmem:s14+$0x4000]  }
0x1e: {  	v0 =	vadd.f32 v1, v0  }
0x1f: {  	v1 =	vld [tilespmem:s14+$0x4200]  }
0x20: {  	v0 =	vadd.f32 v2, v0  }
0x21: {  	v2 =	vld [tilespmem:s14+$0x4400]  }
0x22: {  	v0 =	vadd.f32 v3, v0  }
0x23: {  	v3 =	vld [tilespmem:s14+$0x4600]  }
0x24: {  	v0 =	vadd.f32 v1, v0  }
0x25: {  	v1 =	vld [tilespmem:s14+$0x4800]  }
0x26: {  	v0 =	vadd.f32 v2, v0  }
0x27: {  	v2 =	vld [tilespmem:s14+$0x4A00]  }
0x28: {  	v0 =	vadd.f32 v3, v0  }
0x29: {  	v3 =	vld [tilespmem:s14+$0x4C00]  }
0x2a: {  	v0 =	vadd.f32 v1, v0  }
0x2b: {  	v1 =	vld [tilespmem:s14+$0x4E00]  }
0x2c: {  	v0 =	vadd.f32 v2, v0  }
0x2d: {  	v2 =	vld [tilespmem:s14+$0x5000]  }
0x2e: {  	v0 =	vadd.f32 v3, v0  }
0x2f: {  	v3 =	vld [tilespmem:s14+$0x5200]  }
0x30: {  	v0 =	vadd.f32 v1, v0  }
0x31: {  	v1 =	vld [tilespmem:s14+$0x5400]  }
0x32: {  	v0 =	vadd.f32 v2, v0  }
0x33: {  	v2 =	vld [tilespmem:s14+$0x5600]  }
0x34: {  	v0 =	vadd.f32 v3, v0  }
0x35: {  	v3 =	vld [tilespmem:s14+$0x5800]  }
0x36: {  	v0 =	vadd.f32 v1, v0  }
0x37: {  	v1 =	vld [tilespmem:s14+$0x5A00]  }
0x38: {  	v0 =	vadd.f32 v2, v0  }
0x39: {  	v2 =	vld [tilespmem:s14+$0x5C00]  }
0x3a: {  	v0 =	vadd.f32 v3, v0  }
0x3b: {  	v3 =	vld [tilespmem:s14+$0x5E00]  }
0x3c: {  	v0 =	vadd.f32 v1, v0  }
0x3d: {  	v1 =	vld [tilespmem:s14+$0x6000]  }
0x3e: {  	v0 =	vadd.f32 v2, v0  }
0x3f: {  	v2 =	vld [tilespmem:s14+$0x6200]  }
0x40: {  	v0 =	vadd.f32 v3, v0  }
0x41: {  	v3 =	vld [tilespmem:s14+$0x6400]  }
0x42: {  	v0 =	vadd.f32 v1, v0  }
0x43: {  	v1 =	vld [tilespmem:s14+$0x6600]  }
0x44: {  	v0 =	vadd.f32 v2, v0;
	_ =	sdelay $0x1  }
0x45: {  	v0 =	vadd.f32 v3, v0;
	_ =	sdelay $0x1  }
0x46: {  	v0 =	vadd.f32 v1, v0  }
0x47: {  	s31 =	simm.s32 $0x10  }
0x48: {  	s14 =	sand.u32 $0x1F0, s31;
	[tilespmem:s11+$0x0] =	vst v0  }
0x49: {  	s16 =	simm.s32 $0x20;
	s15 =	simm.s32 $0x3410;
	s13 =	simm.s32 $0x6800;
	v0 =	vld [tilespmem:s14+$0x3600]  }
.LBB2_2:
0x4a: {  	p0 =	sne.s32 s16, $0x1F0;
	v1 =	vld [tilespmem:s15+$0x0];
	_ =	sdelay $0x1  }
0x4b: {  	v2 =	vld [tilespmem:s14+$0x3800];
	_ =	sdelay $0x1  }
0x4c: {  	v3 =	vld [tilespmem:s14+$0x3A00]  }
0x4d: {  	v0 =	vadd.f32 v0, v1  }
0x4e: {  	v1 =	vld [tilespmem:s14+$0x3C00]  }
0x4f: {  	v0 =	vadd.f32 v2, v0  }
0x50: {  	v2 =	vld [tilespmem:s14+$0x3E00]  }
0x51: {  	v0 =	vadd.f32 v3, v0  }
0x52: {  	v3 =	vld [tilespmem:s14+$0x4000]  }
0x53: {  	v0 =	vadd.f32 v1, v0  }
0x54: {  	v1 =	vld [tilespmem:s14+$0x4200]  }
0x55: {  	v0 =	vadd.f32 v2, v0  }
0x56: {  	v2 =	vld [tilespmem:s14+$0x4400]  }
0x57: {  	v0 =	vadd.f32 v3, v0  }
0x58: {  	v3 =	vld [tilespmem:s14+$0x4600]  }
0x59: {  	v0 =	vadd.f32 v1, v0  }
0x5a: {  	v1 =	vld [tilespmem:s14+$0x4800]  }
0x5b: {  	v0 =	vadd.f32 v2, v0  }
0x5c: {  	v2 =	vld [tilespmem:s14+$0x4A00]  }
0x5d: {  	v0 =	vadd.f32 v3, v0  }
0x5e: {  	v3 =	vld [tilespmem:s14+$0x4C00]  }
0x5f: {  	v0 =	vadd.f32 v1, v0  }
0x60: {  	v1 =	vld [tilespmem:s14+$0x4E00]  }
0x61: {  	v0 =	vadd.f32 v2, v0  }
0x62: {  	v2 =	vld [tilespmem:s14+$0x5000]  }
0x63: {  	v0 =	vadd.f32 v3, v0  }
0x64: {  	v3 =	vld [tilespmem:s14+$0x5200]  }
0x65: {  	v0 =	vadd.f32 v1, v0  }
0x66: {  	v1 =	vld [tilespmem:s14+$0x5400]  }
0x67: {  	v0 =	vadd.f32 v2, v0  }
0x68: {  	v2 =	vld [tilespmem:s14+$0x5600]  }
0x69: {  	v0 =	vadd.f32 v3, v0  }
0x6a: {  	v3 =	vld [tilespmem:s14+$0x5800]  }
0x6b: {  	v0 =	vadd.f32 v1, v0  }
0x6c: {  	v1 =	vld [tilespmem:s14+$0x5A00]  }
0x6d: {  	v0 =	vadd.f32 v2, v0  }
0x6e: {  	v2 =	vld [tilespmem:s14+$0x5C00]  }
0x6f: {  	v0 =	vadd.f32 v3, v0  }
0x70: {  	v3 =	vld [tilespmem:s14+$0x5E00]  }
0x71: {  	v0 =	vadd.f32 v1, v0  }
0x72: {  	v1 =	vld [tilespmem:s14+$0x6000]  }
0x73: {  	v0 =	vadd.f32 v2, v0  }
0x74: {  	v2 =	vld [tilespmem:s14+$0x6200]  }
0x75: {  	v0 =	vadd.f32 v3, v0  }
0x76: {  	v3 =	vld [tilespmem:s14+$0x6400]  }
0x77: {  	v0 =	vadd.f32 v1, v0  }
0x78: {  	v1 =	vld [tilespmem:s14+$0x6600]  }
0x79: {  	v0 =	vadd.f32 v2, v0;
	_ =	sdelay $0x1  }
0x7a: {  	v0 =	vadd.f32 v3, v0  }
.Ltmp0:
0x7b: {  	(pc) =	sbr.rel @p0 .LBB2_2-.Ltmp0, $4  }
0x7c: {  	v0 =	vadd.f32 v1, v0  }
0x7d: {  	s13 =	sadd.s32 $0x10, s13  }
0x7e: {  	s14 =	sand.u32 $0x1F0, s16;
	[tilespmem:s13+$0x0] =	vst v0  }
0x7f: {  	s15 =	sadd.s32 $0x10, s15;
	s16 =	sadd.s32 $0x10, s16;
	v0 =	vld [tilespmem:s14+$0x3600]  }
0x80: {  	v1 =	vld [tilespmem:s15+$0x0];
	_ =	sdelay $0x1  }
0x81: {  	v2 =	vld [tilespmem:s14+$0x3800];
	_ =	sdelay $0x1  }
0x82: {  	v3 =	vld [tilespmem:s14+$0x3A00]  }
0x83: {  	v0 =	vadd.f32 v0, v1  }
0x84: {  	v42 =	vld [tilespmem:s14+$0x3C00]  }
0x85: {  	v0 =	vadd.f32 v2, v0  }
0x86: {  	v43 =	vld [tilespmem:s14+$0x3E00]  }
0x87: {  	v0 =	vadd.f32 v3, v0  }
0x88: {  	v44 =	vld [tilespmem:s14+$0x4000]  }
0x89: {  	v0 =	vadd.f32 v42, v0  }
0x8a: {  	v45 =	vld [tilespmem:s14+$0x4200]  }
0x8b: {  	v0 =	vadd.f32 v43, v0  }
0x8c: {  	v46 =	vld [tilespmem:s14+$0x4400]  }
0x8d: {  	v0 =	vadd.f32 v44, v0  }
0x8e: {  	v47 =	vld [tilespmem:s14+$0x4600]  }
0x8f: {  	v0 =	vadd.f32 v45, v0  }
0x90: {  	v48 =	vld [tilespmem:s14+$0x4800]  }
0x91: {  	v0 =	vadd.f32 v46, v0  }
0x92: {  	v49 =	vld [tilespmem:s14+$0x4A00]  }
0x93: {  	v0 =	vadd.f32 v47, v0  }
0x94: {  	v50 =	vld [tilespmem:s14+$0x4C00]  }
0x95: {  	v0 =	vadd.f32 v48, v0  }
0x96: {  	v51 =	vld [tilespmem:s14+$0x4E00]  }
0x97: {  	v0 =	vadd.f32 v49, v0  }
0x98: {  	v52 =	vld [tilespmem:s14+$0x5000]  }
0x99: {  	v0 =	vadd.f32 v50, v0  }
0x9a: {  	v53 =	vld [tilespmem:s14+$0x5200]  }
0x9b: {  	v0 =	vadd.f32 v51, v0  }
0x9c: {  	v54 =	vld [tilespmem:s14+$0x5400]  }
0x9d: {  	v0 =	vadd.f32 v52, v0  }
0x9e: {  	v55 =	vld [tilespmem:s14+$0x5600]  }
0x9f: {  	v0 =	vadd.f32 v53, v0  }
0xa0: {  	v56 =	vld [tilespmem:s14+$0x5800]  }
0xa1: {  	v0 =	vadd.f32 v54, v0  }
0xa2: {  	v57 =	vld [tilespmem:s14+$0x5A00]  }
0xa3: {  	v0 =	vadd.f32 v55, v0  }
0xa4: {  	v58 =	vld [tilespmem:s14+$0x5C00]  }
0xa5: {  	v0 =	vadd.f32 v56, v0  }
0xa6: {  	v59 =	vld [tilespmem:s14+$0x5E00]  }
0xa7: {  	v0 =	vadd.f32 v57, v0  }
0xa8: {  	v60 =	vld [tilespmem:s14+$0x6000]  }
0xa9: {  	v0 =	vadd.f32 v58, v0  }
0xaa: {  	v61 =	vld [tilespmem:s14+$0x6200]  }
0xab: {  	v0 =	vadd.f32 v59, v0  }
0xac: {  	v62 =	vld [tilespmem:s14+$0x6400]  }
0xad: {  	v0 =	vadd.f32 v60, v0  }
0xae: {  	v63 =	vld [tilespmem:s14+$0x6600]  }
0xaf: {  	v0 =	vadd.f32 v61, v0;
	_ =	sdelay $0x1  }
0xb0: {  	v0 =	vadd.f32 v62, v0;
	_ =	sdelay $0x1  }
0xb1: {  	s12 =	sadd.s32 $0x1, s12;
	v0 =	vadd.f32 v63, v0  }
0xb2: {  	s13 =	sadd.s32 $0x10, s13;
	p0 =	sne.s32 s12, s6  }
.Ltmp1:
0xb3: {  	[tilespmem:s13+$0x0] =	vst v0;
	(pc) =	sbr.rel @p0 .LBB2_1-.Ltmp1, $4  }
0xb4: {  	[hbm4b:s5+s2] =	stream.linear.scatter [tilespmem:s11], [sflag:$0x2], $0x200, $0x38;
	[tilespmem:$0x6A00] =	vst v63  }
0xb5: {  	_ =	swait.ge [sflag:s9], $0x200  }
0xb6: {  	[sflag:s9] =	ssyncset.done $0x0  }
0xb7: {  	[sflag:s9] =	ssyncadd.s32 $0xFFFFFE00  }
0xb8: {  	_ =	sfence.sel $0x180000  }
0xb9: {  	[bflag:$0x0] =	sbarrier.arrive $0xFFFF  }
0xba: {  	p0 =	sne.s32 s0, $0x0;
	_ =	strace $0x90000047  }
0xbb: {  	s0 =	sadd.s32 @!p0 $0x100000, s1;
	[bflag:$0x2] =	sbarrier.arrive $0xFFFF  }
0xbc: {  	[sflag:s0] =	ssyncadd.tile.s32 @!p0 $0x1;
	_ =	shalt  }
.Lfunc_end2:
_tile_overlayer_lowered:
.L_overlay_start_2:
0xbd: {  	(tag) =	ssettag $0x2  }
0xbe: {  	s0 =	rddreg [dreg:$0x0];
	s2 =	stileid.u32  }
0xbf: {  	s1 =	rddreg [dreg:$0x1];
	p0 =	sne.s32 s2, $0x0  }
0xc0: {  	s3 =	rddreg [dreg:$0x2];
	[bflag:$0x3] =	sbarrier.arrive $0xFFFF;
	s2 =	simm.s32 @!p0 $0x1C02  }
0xc1: {  	[timem:s3], [sflag:s2] =	dma.local @!p0 [hbm:s0], s1  }
0xc2: {  	s0 =	simm.s32 @!p0 $0x2  }
0xc3: {  	_ =	swait.ge @!p0 [sflag:s0], s1  }
0xc4: {  	s1 =	ssub.s32 @!p0 $0x0, s1;
	[sflag:s0] =	ssyncset.done @!p0 $0x0  }
0xc5: {  	[sflag:s0] =	ssyncadd.s32 @!p0 s1  }
0xc6: {  	[bflag:$0x3] =	sbarrier.arrive $0xFFFF  }
0xc7: {  	_ =	shalt  }

</sc_bundles>
